<compile_context>
chip_gen: v7x
topology: tpu7x:2x2x1
jax: 0.10.2.dev20260603
libtpu: 0.0.44.dev20260713+nightly
codegen_flags: <defaults>
</compile_context>

<pallas_src>
import functools

import jax
import jax.numpy as jnp
from jax.experimental import pallas as pl
from jax.experimental.pallas import tpu as pltpu

N = 4096
BM = 256
_AR = 0.5
f32 = jnp.float32
bf16 = jnp.bfloat16


def _dot_t(a, b):
    return jax.lax.dot_general(a, b, (((1,), (1,)), ((), ())),
                               preferred_element_type=f32)


def _sig_t(z_blk, z_all):
    s = _dot_t(z_blk * 0.5, z_all)
    return 0.5 * jnp.tanh(s) + 0.5


def _proj_body(x_ref, w_ref, o_ref):
    o_ref[...] = jnp.dot(x_ref[...], w_ref[...], preferred_element_type=f32)


def _proj(x, w):
    n, k = x.shape
    c = w.shape[1]
    return pl.pallas_call(
        _proj_body,
        grid=(n // BM,),
        in_specs=[pl.BlockSpec((BM, k), lambda i: (i, 0)),
                  pl.BlockSpec((k, c), lambda i: (0, 0))],
        out_specs=pl.BlockSpec((BM, c), lambda i: (i, 0)),
        out_shape=jax.ShapeDtypeStruct((n, c), f32),
    )(x, w)


def _adj_first_body(adj_ref, m_ref, o_ref, ab_ref):
    ab = adj_ref[...].astype(bf16)
    ab_ref[...] = ab
    acc = jnp.dot(ab, m_ref[...].astype(bf16), preferred_element_type=f32)
    o_ref[...] = jnp.maximum(acc, 0.0)


def _adj_first(adj, m):
    n = adj.shape[0]
    c = m.shape[1]
    return pl.pallas_call(
        _adj_first_body,
        grid=(n // BM,),
        in_specs=[pl.BlockSpec((BM, n), lambda i: (i, 0)),
                  pl.BlockSpec((n, c), lambda i: (0, 0))],
        out_specs=[pl.BlockSpec((BM, c), lambda i: (i, 0)),
                   pl.BlockSpec((BM, n), lambda i: (i, 0))],
        out_shape=[jax.ShapeDtypeStruct((n, c), f32),
                   jax.ShapeDtypeStruct((n, n), bf16)],
    )(adj, m)


def _adj_body(do_relu, has_w, has_add, *refs):
    adj_ref, m_ref = refs[0], refs[1]
    idx = 2
    w_ref = add_ref = None
    if has_w:
        w_ref = refs[idx]
        idx += 1
    if has_add:
        add_ref = refs[idx]
        idx += 1
    o_ref = refs[idx]
    acc = jnp.dot(adj_ref[...], m_ref[...].astype(bf16),
                  preferred_element_type=f32)
    if has_w:
        acc = jnp.dot(acc, w_ref[...], preferred_element_type=f32)
    if do_relu:
        acc = jnp.maximum(acc, 0.0)
    if has_add:
        acc = acc + add_ref[...]
    o_ref[...] = acc


def _adj_pass(adj_b, m, post_w=None, relu=False, add=None):
    n = adj_b.shape[0]
    c = m.shape[1]
    cout = post_w.shape[1] if post_w is not None else c
    ins = [adj_b, m]
    specs = [pl.BlockSpec((BM, n), lambda i: (i, 0)),
             pl.BlockSpec((n, c), lambda i: (0, 0))]
    if post_w is not None:
        ins.append(post_w)
        specs.append(pl.BlockSpec(post_w.shape, lambda i: (0, 0)))
    if add is not None:
        ins.append(add)
        specs.append(pl.BlockSpec((BM, cout), lambda i: (i, 0)))
    return pl.pallas_call(
        functools.partial(_adj_body, relu, post_w is not None, add is not None),
        grid=(n // BM,),
        in_specs=specs,
        out_specs=pl.BlockSpec((BM, cout), lambda i: (i, 0)),
        out_shape=jax.ShapeDtypeStruct((n, cout), f32),
    )(*ins)


def _phase_a_body(z_blk, z_all, xw0, w1a, w1b, rs_ref, m_ref):
    zi = z_blk[...]
    sg = _sig_t(zi, z_all[...])
    rs_ref[...] = jnp.sum(sg, axis=1, keepdims=True)
    m_ref[...] = jnp.concatenate(
        [jnp.dot(zi, w1a[...], preferred_element_type=f32),
         xw0[..., :32],
         jnp.dot(zi, w1b[...], preferred_element_type=f32),
         xw0[..., 32:]], axis=1)


def _phase_a(z, xw0, w1a, w1b):
    return pl.pallas_call(
        _phase_a_body,
        grid=(N // BM,),
        in_specs=[pl.BlockSpec((BM, 16), lambda i: (i, 0)),
                  pl.BlockSpec((N, 16), lambda i: (0, 0)),
                  pl.BlockSpec((BM, 64), lambda i: (i, 0)),
                  pl.BlockSpec((16, 32), lambda i: (0, 0)),
                  pl.BlockSpec((16, 32), lambda i: (0, 0))],
        out_specs=[pl.BlockSpec((BM, 1), lambda i: (i, 0)),
                   pl.BlockSpec((BM, 128), lambda i: (i, 0))],
        out_shape=[jax.ShapeDtypeStruct((N, 1), f32),
                   jax.ShapeDtypeStruct((N, 128), f32)],
    )(z, z, xw0, w1a, w1b)


def _phase_b_body(z_blk, z_all, rs_all, rs_blk, m_all, w2a, w2b, o_ref,
                  md_ref):
    @pl.when(pl.program_id(0) == 0)
    def _():
        md_ref[...] = (m_all[...] * jax.lax.rsqrt(rs_all[...])).astype(bf16)

    sg = _sig_t(z_blk[...], z_all[...])
    acc = jnp.dot(sg.astype(bf16), md_ref[...], preferred_element_type=f32)
    di = jax.lax.rsqrt(rs_blk[...])
    sc = acc * di
    ua = jnp.maximum(sc[:, 0:32], 0.0) + jnp.maximum(sc[:, 32:64], 0.0)
    ub = jnp.maximum(sc[:, 64:96], 0.0) + jnp.maximum(sc[:, 96:128], 0.0)
    v = jnp.concatenate(
        [jnp.dot(ua, w2a[...], preferred_element_type=f32),
         jnp.dot(ub, w2b[...], preferred_element_type=f32)], axis=1)
    o_ref[...] = (v * di).astype(bf16)


def _phase_b(z, rs, m, w2a, w2b):
    return pl.pallas_call(
        _phase_b_body,
        grid=(N // BM,),
        in_specs=[pl.BlockSpec((BM, 16), lambda i: (i, 0)),
                  pl.BlockSpec((N, 16), lambda i: (0, 0)),
                  pl.BlockSpec((N, 1), lambda i: (0, 0)),
                  pl.BlockSpec((BM, 1), lambda i: (i, 0)),
                  pl.BlockSpec((N, 128), lambda i: (0, 0)),
                  pl.BlockSpec((32, 16), lambda i: (0, 0)),
                  pl.BlockSpec((32, 16), lambda i: (0, 0))],
        out_specs=pl.BlockSpec((BM, 32), lambda i: (i, 0)),
        out_shape=jax.ShapeDtypeStruct((N, 32), bf16),
        scratch_shapes=[pltpu.VMEM((N, 128), bf16)],
    )(z, z, rs, rs, m, w2a, w2b)


def _phase_c_body(z_blk, z_all, rs_blk, vd_all, o_ref):
    sg = _sig_t(z_blk[...], z_all[...])
    acc = jnp.dot(sg.astype(bf16), vd_all[...], preferred_element_type=f32)
    w = acc * jax.lax.rsqrt(rs_blk[...])
    zz = jnp.concatenate([z_blk[...], z_blk[...]], axis=1)
    o_ref[...] = (1.0 - _AR) * zz + _AR * w


def _phase_c(z, rs, vd):
    return pl.pallas_call(
        _phase_c_body,
        grid=(N // BM,),
        in_specs=[pl.BlockSpec((BM, 16), lambda i: (i, 0)),
                  pl.BlockSpec((N, 16), lambda i: (0, 0)),
                  pl.BlockSpec((BM, 1), lambda i: (i, 0)),
                  pl.BlockSpec((N, 32), lambda i: (0, 0))],
        out_specs=pl.BlockSpec((BM, 32), lambda i: (i, 0)),
        out_shape=jax.ShapeDtypeStruct((N, 32), f32),
    )(z, z, rs, vd)


def _recon_body(u_blk, u_all, o_ref):
    o_ref[...] = _dot_t(u_blk[...], u_all[...])


def _recon(u):
    return pl.pallas_call(
        _recon_body,
        grid=(N // BM,),
        in_specs=[pl.BlockSpec((BM, 16), lambda i: (i, 0)),
                  pl.BlockSpec((N, 16), lambda i: (0, 0))],
        out_specs=pl.BlockSpec((BM, N), lambda i: (i, 0)),
        out_shape=jax.ShapeDtypeStruct((N, N), f32),
    )(u, u)


def kernel(features, adj, W_e1, W_mean, W_std, Wl0_a, Wl1_a, Wl2_a,
           Wl0_b, Wl1_b, Wl2_b, W_h1, W_h2, W_out):
    wcat = jnp.concatenate([W_e1, W_h1, Wl0_a, Wl0_b], axis=1)
    p = _proj(features, wcat)

    t1, adj_b = _adj_first(adj, p[:, :64])
    hidden1, h1r = t1[:, :32], t1[:, 32:]
    z = _adj_pass(adj_b, hidden1, post_w=W_mean)

    rs, m = _phase_a(z, p[:, 64:], Wl1_a, Wl1_b)
    v = _phase_b(z, rs, m, Wl2_a, Wl2_b)
    upd = _phase_c(z, rs, v)
    u_a, z_f = upd[:, :16], upd[:, 16:]

    reconstructions = _recon(u_a).reshape(-1)

    t3 = _adj_pass(adj_b, z_f, post_w=W_h2, relu=True, add=h1r)
    outputs = _adj_pass(adj_b, t3, post_w=W_out)
    return outputs, reconstructions

# --- scband reference (transcript-rebuilt; emitter-appended) ---
"""Pipeline reference for scband-gcnmodel-feedback-66408784330963 (READ-ONLY COPY).

The authoritative reference and input builder live on the scoring server;
editing this copy changes nothing except your own understanding.
"""

import jax, jax.numpy as jnp
import numpy as np

N = 4096
F = 256
H1, H2, H3, H4, OUT = 32, 16, 32, 32, 16
AR = 0.5  # FLAGS.autoregressive_scalar


def setup_inputs(seed: int = 0):
    key = jax.random.key(seed)
    ks = jax.random.split(key, 16)

    def w(k, a, b):
        return jax.random.normal(k, (a, b), jnp.float32) * (1.0 / np.sqrt(a))

    features = jax.random.normal(ks[0], (N, F), jnp.float32)
    # dense stand-in for the symmetrically-normalized sparse adjacency
    adj = jax.random.uniform(ks[1], (N, N), dtype=jnp.float32) / N
    return {
        "features": features,
        "adj": adj,
        "W_e1": w(ks[2], F, H1),
        "W_mean": w(ks[3], H1, H2),
        "W_std": w(ks[4], H1, H2),
        "Wl0_a": w(ks[5], F, H3),
        "Wl1_a": w(ks[6], H2, H3),
        "Wl2_a": w(ks[7], H3, H2),
        "Wl0_b": w(ks[8], F, H3),
        "Wl1_b": w(ks[9], H2, H3),
        "Wl2_b": w(ks[10], H3, H2),
        "W_h1": w(ks[11], F, H4),
        "W_h2": w(ks[12], H2, H4),
        "W_out": w(ks[13], H4, OUT),
    }


def _decoder(z, x, Wl0, Wl1, Wl2):
    # InnerProductDecoder l3(z) with identity act, then sigmoid
    recon = jax.nn.sigmoid(z @ z.T)
    d = jnp.power(jnp.sum(recon, axis=1), -0.5)
    recon = d[None, :] * recon * d[:, None]
    # GraphConvolutionDense layers: act(a @ (x @ W)), dropout=0
    update = jax.nn.relu(recon @ (z @ Wl1)) + jax.nn.relu(recon @ (x @ Wl0))
    update = recon @ (update @ Wl2)
    update = (1.0 - AR) * z + AR * update
    reconstructions = (update @ update.T).reshape(-1)
    return reconstructions, update


def reference(features, adj, W_e1, W_mean, W_std, Wl0_a, Wl1_a, Wl2_a,
              Wl0_b, Wl1_b, Wl2_b, W_h1, W_h2, W_out):
    # encoder
    hidden1 = jax.nn.relu(adj @ (features @ W_e1))
    z_mean = adj @ (hidden1 @ W_mean)
    z_log_std = adj @ (hidden1 @ W_std)  # unused when FLAGS.vae is False
    z = z_mean  # FLAGS.vae == False -> z = z_noiseless = z_mean
    # decoder(z): each call to decoder() instantiates fresh layer variables in TF1,
    # so the two calls use independent weight sets (a / b)
    reconstructions, _ = _decoder(z, features, Wl0_a, Wl1_a, Wl2_a)
    _, z_f = _decoder(z, features, Wl0_b, Wl1_b, Wl2_b)
    # classification head
    outputs = jax.nn.relu(adj @ (features @ W_h1)) + jax.nn.relu(adj @ (z_f @ W_h2))
    outputs = adj @ (outputs @ W_out)
    return outputs, reconstructions

if __name__ == "__main__":
    import jax
    _d = setup_inputs()
    print(jax.jit(kernel)(*tuple(_d.values())))

</pallas_src>

<mosaic_0001>
module attributes {stable_mosaic.version = 14 : i64} {
  func.func @_proj_body(%arg0: i32, %arg1: memref<256x256xf32, #tpu.memory_space<vmem>>, %arg2: memref<256x128xf32, #tpu.memory_space<vmem>>, %arg3: memref<256x128xf32, #tpu.memory_space<vmem>>) attributes {dimension_semantics = [#tpu.dimension_semantics<arbitrary>], iteration_bounds = array<i64: 16>, scalar_prefetch = 0 : i64, scratch_operands = 0 : i64, tpu.core_type = #tpu.core_type<tc>, window_params = [{transform_indices = @transform_0, window_bounds = array<i64: 256, 256>}, {pipeline_mode = #tpu.pipeline_mode<synchronous>, transform_indices = @transform_1, window_bounds = array<i64: 256, 128>}, {transform_indices = @transform_2, window_bounds = array<i64: 256, 128>}]} {
    %get3A = arith.constant 0 : index
    %get3A_0 = arith.constant 0 : index
    %get3A_1 = vector.load %arg1[%get3A, %get3A_0] : memref<256x256xf32, #tpu.memory_space<vmem>>, vector<256x256xf32>
    %get3A_2 = arith.constant 0 : index
    %get3A_3 = arith.constant 0 : index
    %get3A_4 = vector.load %arg2[%get3A_2, %get3A_3] : memref<256x128xf32, #tpu.memory_space<vmem>>, vector<256x128xf32>
    %dot_general3A = arith.constant dense<0.000000e+00> : vector<256x128xf32>
    %dot_general3A_5 = tpu.matmul %get3A_1, %get3A_4, %dot_general3A {dimension_numbers = #tpu.dot_dimension_numbers<[1], [0], [0], [1], [0, 0, 1, 1], [], []>, transpose_lhs_hint = false} : vector<256x256xf32>, vector<256x128xf32>, vector<256x128xf32> -> vector<256x128xf32>
    %swap3A = arith.constant 0 : index
    %swap3A_6 = arith.constant 0 : index
    %swap3A_7 = vector.load %arg3[%swap3A, %swap3A_6] : memref<256x128xf32, #tpu.memory_space<vmem>>, vector<256x128xf32>
    tpu.vector_store %arg3[%swap3A, %swap3A_6], %dot_general3A_5 {strides = array<i32>} : memref<256x128xf32, #tpu.memory_space<vmem>>, vector<256x128xf32>,
    return
  }
  func.func @transform_0(%arg0: i32) -> (i32, i32) {
    %c0_i32 = arith.constant 0 : i32
    %c0_i32_0 = arith.constant 0 : i32
    return %arg0, %c0_i32 : i32, i32
  }
  func.func @transform_1(%arg0: i32) -> (i32, i32) {
    %c0_i32 = arith.constant 0 : i32
    %c0_i32_0 = arith.constant 0 : i32
    %c0_i32_1 = arith.constant 0 : i32
    return %c0_i32, %c0_i32_0 : i32, i32
  }
  func.func @transform_2(%arg0: i32) -> (i32, i32) {
    %c0_i32 = arith.constant 0 : i32
    %c0_i32_0 = arith.constant 0 : i32
    return %arg0, %c0_i32 : i32, i32
  }
}

module attributes {stable_mosaic.version = 14 : i64} {
  func.func @_adj_first_body(%arg0: i32, %arg1: memref<256x4096xf32, #tpu.memory_space<vmem>>, %arg2: memref<4096x64xf32, #tpu.memory_space<vmem>>, %arg3: memref<256x64xf32, #tpu.memory_space<vmem>>, %arg4: memref<256x4096xbf16, #tpu.memory_space<vmem>>) attributes {dimension_semantics = [#tpu.dimension_semantics<arbitrary>], iteration_bounds = array<i64: 16>, scalar_prefetch = 0 : i64, scratch_operands = 0 : i64, tpu.core_type = #tpu.core_type<tc>, window_params = [{transform_indices = @transform_0, window_bounds = array<i64: 256, 4096>}, {pipeline_mode = #tpu.pipeline_mode<synchronous>, transform_indices = @transform_1, window_bounds = array<i64: 4096, 64>}, {transform_indices = @transform_2, window_bounds = array<i64: 256, 64>}, {transform_indices = @transform_3, window_bounds = array<i64: 256, 4096>}]} {
    %get3A = arith.constant 0 : index
    %get3A_0 = arith.constant 0 : index
    %get3A_1 = vector.load %arg1[%get3A, %get3A_0] : memref<256x4096xf32, #tpu.memory_space<vmem>>, vector<256x4096xf32>
    %convert_element_type3A = arith.truncf %get3A_1 : vector<256x4096xf32> to vector<256x4096xbf16>
    %swap3A = arith.constant 0 : index
    %swap3A_2 = arith.constant 0 : index
    %swap3A_3 = vector.load %arg4[%swap3A, %swap3A_2] : memref<256x4096xbf16, #tpu.memory_space<vmem>>, vector<256x4096xbf16>
    tpu.vector_store %arg4[%swap3A, %swap3A_2], %convert_element_type3A {strides = array<i32>} : memref<256x4096xbf16, #tpu.memory_space<vmem>>, vector<256x4096xbf16>,
    %get3A_4 = arith.constant 0 : index
    %get3A_5 = arith.constant 0 : index
    %get3A_6 = vector.load %arg2[%get3A_4, %get3A_5] : memref<4096x64xf32, #tpu.memory_space<vmem>>, vector<4096x64xf32>
    %convert_element_type3A_7 = arith.truncf %get3A_6 : vector<4096x64xf32> to vector<4096x64xbf16>
    %dot_general3A = arith.constant dense<0.000000e+00> : vector<256x64xf32>
    %dot_general3A_8 = tpu.matmul %convert_element_type3A, %convert_element_type3A_7, %dot_general3A {dimension_numbers = #tpu.dot_dimension_numbers<[1], [0], [0], [1], [0, 0, 1, 1], [], []>, transpose_lhs_hint = false} : vector<256x4096xbf16>, vector<4096x64xbf16>, vector<256x64xf32> -> vector<256x64xf32>
    %max3A = arith.constant 0.000000e+00 : f32
    %max3A_9 = vector.broadcast %max3A : f32 to vector<256x64xf32>
    %max3A_10 = arith.maximumf %dot_general3A_8, %max3A_9 : vector<256x64xf32>
    %swap3A_11 = arith.constant 0 : index
    %swap3A_12 = arith.constant 0 : index
    %swap3A_13 = vector.load %arg3[%swap3A_11, %swap3A_12] : memref<256x64xf32, #tpu.memory_space<vmem>>, vector<256x64xf32>
    tpu.vector_store %arg3[%swap3A_11, %swap3A_12], %max3A_10 {strides = array<i32>} : memref<256x64xf32, #tpu.memory_space<vmem>>, vector<256x64xf32>,
    return
  }
  func.func @transform_0(%arg0: i32) -> (i32, i32) {
    %c0_i32 = arith.constant 0 : i32
    %c0_i32_0 = arith.constant 0 : i32
    return %arg0, %c0_i32 : i32, i32
  }
  func.func @transform_1(%arg0: i32) -> (i32, i32) {
    %c0_i32 = arith.constant 0 : i32
    %c0_i32_0 = arith.constant 0 : i32
    %c0_i32_1 = arith.constant 0 : i32
    return %c0_i32, %c0_i32_0 : i32, i32
  }
  func.func @transform_2(%arg0: i32) -> (i32, i32) {
    %c0_i32 = arith.constant 0 : i32
    %c0_i32_0 = arith.constant 0 : i32
    return %arg0, %c0_i32 : i32, i32
  }
  func.func @transform_3(%arg0: i32) -> (i32, i32) {
    %c0_i32 = arith.constant 0 : i32
    %c0_i32_0 = arith.constant 0 : i32
    return %arg0, %c0_i32 : i32, i32
  }
}

module attributes {stable_mosaic.version = 14 : i64} {
  func.func @_adj_body(%arg0: i32, %arg1: memref<256x4096xbf16, #tpu.memory_space<vmem>>, %arg2: memref<4096x32xf32, #tpu.memory_space<vmem>>, %arg3: memref<32x16xf32, #tpu.memory_space<vmem>>, %arg4: memref<256x16xf32, #tpu.memory_space<vmem>>) attributes {dimension_semantics = [#tpu.dimension_semantics<arbitrary>], iteration_bounds = array<i64: 16>, scalar_prefetch = 0 : i64, scratch_operands = 0 : i64, tpu.core_type = #tpu.core_type<tc>, window_params = [{transform_indices = @transform_0, window_bounds = array<i64: 256, 4096>}, {pipeline_mode = #tpu.pipeline_mode<synchronous>, transform_indices = @transform_1, window_bounds = array<i64: 4096, 32>}, {pipeline_mode = #tpu.pipeline_mode<synchronous>, transform_indices = @transform_2, window_bounds = array<i64: 32, 16>}, {transform_indices = @transform_3, window_bounds = array<i64: 256, 16>}]} {
    %get3A = arith.constant 0 : index
    %get3A_0 = arith.constant 0 : index
    %get3A_1 = vector.load %arg1[%get3A, %get3A_0] : memref<256x4096xbf16, #tpu.memory_space<vmem>>, vector<256x4096xbf16>
    %get3A_2 = arith.constant 0 : index
    %get3A_3 = arith.constant 0 : index
    %get3A_4 = vector.load %arg2[%get3A_2, %get3A_3] : memref<4096x32xf32, #tpu.memory_space<vmem>>, vector<4096x32xf32>
    %convert_element_type3A = arith.truncf %get3A_4 : vector<4096x32xf32> to vector<4096x32xbf16>
    %dot_general3A = arith.constant dense<0.000000e+00> : vector<256x32xf32>
    %dot_general3A_5 = tpu.matmul %get3A_1, %convert_element_type3A, %dot_general3A {dimension_numbers = #tpu.dot_dimension_numbers<[1], [0], [0], [1], [0, 0, 1, 1], [], []>, transpose_lhs_hint = false} : vector<256x4096xbf16>, vector<4096x32xbf16>, vector<256x32xf32> -> vector<256x32xf32>
    %get3A_6 = arith.constant 0 : index
    %get3A_7 = arith.constant 0 : index
    %get3A_8 = vector.load %arg3[%get3A_6, %get3A_7] : memref<32x16xf32, #tpu.memory_space<vmem>>, vector<32x16xf32>
    %dot_general3A_9 = arith.constant dense<0.000000e+00> : vector<256x16xf32>
    %dot_general3A_10 = tpu.matmul %dot_general3A_5, %get3A_8, %dot_general3A_9 {dimension_numbers = #tpu.dot_dimension_numbers<[1], [0], [0], [1], [0, 0, 1, 1], [], []>, transpose_lhs_hint = false} : vector<256x32xf32>, vector<32x16xf32>, vector<256x16xf32> -> vector<256x16xf32>
    %swap3A = arith.constant 0 : index
    %swap3A_11 = arith.constant 0 : index
    %swap3A_12 = vector.load %arg4[%swap3A, %swap3A_11] : memref<256x16xf32, #tpu.memory_space<vmem>>, vector<256x16xf32>
    tpu.vector_store %arg4[%swap3A, %swap3A_11], %dot_general3A_10 {strides = array<i32>} : memref<256x16xf32, #tpu.memory_space<vmem>>, vector<256x16xf32>,
    return
  }
  func.func @transform_0(%arg0: i32) -> (i32, i32) {
    %c0_i32 = arith.constant 0 : i32
    %c0_i32_0 = arith.constant 0 : i32
    return %arg0, %c0_i32 : i32, i32
  }
  func.func @transform_1(%arg0: i32) -> (i32, i32) {
    %c0_i32 = arith.constant 0 : i32
    %c0_i32_0 = arith.constant 0 : i32
    %c0_i32_1 = arith.constant 0 : i32
    return %c0_i32, %c0_i32_0 : i32, i32
  }
  func.func @transform_2(%arg0: i32) -> (i32, i32) {
    %c0_i32 = arith.constant 0 : i32
    %c0_i32_0 = arith.constant 0 : i32
    %c0_i32_1 = arith.constant 0 : i32
    return %c0_i32, %c0_i32_0 : i32, i32
  }
  func.func @transform_3(%arg0: i32) -> (i32, i32) {
    %c0_i32 = arith.constant 0 : i32
    %c0_i32_0 = arith.constant 0 : i32
    return %arg0, %c0_i32 : i32, i32
  }
}

module attributes {stable_mosaic.version = 14 : i64} {
  func.func @_phase_a_body(%arg0: i32, %arg1: memref<256x16xf32, #tpu.memory_space<vmem>>, %arg2: memref<4096x16xf32, #tpu.memory_space<vmem>>, %arg3: memref<256x64xf32, #tpu.memory_space<vmem>>, %arg4: memref<16x32xf32, #tpu.memory_space<vmem>>, %arg5: memref<16x32xf32, #tpu.memory_space<vmem>>, %arg6: memref<256x1xf32, #tpu.memory_space<vmem>>, %arg7: memref<256x128xf32, #tpu.memory_space<vmem>>) attributes {dimension_semantics = [#tpu.dimension_semantics<arbitrary>], iteration_bounds = array<i64: 16>, scalar_prefetch = 0 : i64, scratch_operands = 0 : i64, tpu.core_type = #tpu.core_type<tc>, window_params = [{transform_indices = @transform_0, window_bounds = array<i64: 256, 16>}, {pipeline_mode = #tpu.pipeline_mode<synchronous>, transform_indices = @transform_1, window_bounds = array<i64: 4096, 16>}, {transform_indices = @transform_2, window_bounds = array<i64: 256, 64>}, {pipeline_mode = #tpu.pipeline_mode<synchronous>, transform_indices = @transform_3, window_bounds = array<i64: 16, 32>}, {pipeline_mode = #tpu.pipeline_mode<synchronous>, transform_indices = @transform_4, window_bounds = array<i64: 16, 32>}, {transform_indices = @transform_5, window_bounds = array<i64: 256, 1>}, {transform_indices = @transform_6, window_bounds = array<i64: 256, 128>}]} {
    %get3A = arith.constant 0 : index
    %get3A_0 = arith.constant 0 : index
    %get3A_1 = vector.load %arg1[%get3A, %get3A_0] : memref<256x16xf32, #tpu.memory_space<vmem>>, vector<256x16xf32>
    %get3A_2 = arith.constant 0 : index
    %get3A_3 = arith.constant 0 : index
    %get3A_4 = vector.load %arg2[%get3A_2, %get3A_3] : memref<4096x16xf32, #tpu.memory_space<vmem>>, vector<4096x16xf32>
    %mul3A = arith.constant 5.000000e-01 : f32
    %mul3A_5 = vector.broadcast %mul3A : f32 to vector<256x16xf32>
    %mul3A_6 = arith.mulf %get3A_1, %mul3A_5 : vector<256x16xf32>
    %dot_general3A = arith.constant dense<0.000000e+00> : vector<256x4096xf32>
    %dot_general3A_7 = tpu.matmul %mul3A_6, %get3A_4, %dot_general3A {dimension_numbers = #tpu.dot_dimension_numbers<[1], [1], [0], [0], [0, 0, 1, 0], [], []>, transpose_lhs_hint = false} : vector<256x16xf32>, vector<4096x16xf32>, vector<256x4096xf32> -> vector<256x4096xf32>
    %tanh3A = math.tanh %dot_general3A_7 : vector<256x4096xf32>
    %mul3A_8 = arith.constant 5.000000e-01 : f32
    %mul3A_9 = vector.broadcast %mul3A_8 : f32 to vector<256x4096xf32>
    %mul3A_10 = arith.mulf %mul3A_9, %tanh3A : vector<256x4096xf32>
    %add3A = arith.constant 5.000000e-01 : f32
    %add3A_11 = vector.broadcast %add3A : f32 to vector<256x4096xf32>
    %add3A_12 = arith.addf %mul3A_10, %add3A_11 : vector<256x4096xf32>
    %reduce_sum3A = arith.constant dense<0.000000e+00> : vector<256xf32>
    %reduce_sum3A_13 = vector.multi_reduction <add>, %add3A_12, %reduce_sum3A [1] : vector<256x4096xf32> to vector<256xf32>
    %broadcast_in_dim3A = vector.shape_cast %reduce_sum3A_13 : vector<256xf32> to vector<256x1xf32>
    %swap3A = arith.constant 0 : index
    %swap3A_14 = arith.constant 0 : index
    %swap3A_15 = vector.load %arg6[%swap3A, %swap3A_14] : memref<256x1xf32, #tpu.memory_space<vmem>>, vector<256x1xf32>
    tpu.vector_store %arg6[%swap3A, %swap3A_14], %broadcast_in_dim3A {strides = array<i32>} : memref<256x1xf32, #tpu.memory_space<vmem>>, vector<256x1xf32>,
    %get3A_16 = arith.constant 0 : index
    %get3A_17 = arith.constant 0 : index
    %get3A_18 = vector.load %arg4[%get3A_16, %get3A_17] : memref<16x32xf32, #tpu.memory_space<vmem>>, vector<16x32xf32>
    %dot_general3A_19 = arith.constant dense<0.000000e+00> : vector<256x32xf32>
    %dot_general3A_20 = tpu.matmul %get3A_1, %get3A_18, %dot_general3A_19 {dimension_numbers = #tpu.dot_dimension_numbers<[1], [0], [0], [1], [0, 0, 1, 1], [], []>, transpose_lhs_hint = false} : vector<256x16xf32>, vector<16x32xf32>, vector<256x32xf32> -> vector<256x32xf32>
    %get3A_21 = arith.constant 0 : index
    %get3A_22 = arith.constant 0 : index
    %get3A_23 = vector.load %arg3[%get3A_21, %get3A_22] : memref<256x64xf32, #tpu.memory_space<vmem>>, vector<256x32xf32>
    %get3A_24 = arith.constant 0 : index
    %get3A_25 = arith.constant 0 : index
    %get3A_26 = vector.load %arg5[%get3A_24, %get3A_25] : memref<16x32xf32, #tpu.memory_space<vmem>>, vector<16x32xf32>
    %dot_general3A_27 = arith.constant dense<0.000000e+00> : vector<256x32xf32>
    %dot_general3A_28 = tpu.matmul %get3A_1, %get3A_26, %dot_general3A_27 {dimension_numbers = #tpu.dot_dimension_numbers<[1], [0], [0], [1], [0, 0, 1, 1], [], []>, transpose_lhs_hint = false} : vector<256x16xf32>, vector<16x32xf32>, vector<256x32xf32> -> vector<256x32xf32>
    %get3A_29 = arith.constant 0 : index
    %get3A_30 = arith.constant 32 : index
    %get3A_31 = vector.load %arg3[%get3A_29, %get3A_30] : memref<256x64xf32, #tpu.memory_space<vmem>>, vector<256x32xf32>
    %concatenate3A = tpu.concatenate %dot_general3A_20, %get3A_23, %dot_general3A_28, %get3A_31 in 1 : vector<256x32xf32>, vector<256x32xf32>, vector<256x32xf32>, vector<256x32xf32> -> vector<256x128xf32>
    %swap3A_32 = arith.constant 0 : index
    %swap3A_33 = arith.constant 0 : index
    %swap3A_34 = vector.load %arg7[%swap3A_32, %swap3A_33] : memref<256x128xf32, #tpu.memory_space<vmem>>, vector<256x128xf32>
    tpu.vector_store %arg7[%swap3A_32, %swap3A_33], %concatenate3A {strides = array<i32>} : memref<256x128xf32, #tpu.memory_space<vmem>>, vector<256x128xf32>,
    return
  }
  func.func @transform_0(%arg0: i32) -> (i32, i32) {
    %c0_i32 = arith.constant 0 : i32
    %c0_i32_0 = arith.constant 0 : i32
    return %arg0, %c0_i32 : i32, i32
  }
  func.func @transform_1(%arg0: i32) -> (i32, i32) {
    %c0_i32 = arith.constant 0 : i32
    %c0_i32_0 = arith.constant 0 : i32
    %c0_i32_1 = arith.constant 0 : i32
    return %c0_i32, %c0_i32_0 : i32, i32
  }
  func.func @transform_2(%arg0: i32) -> (i32, i32) {
    %c0_i32 = arith.constant 0 : i32
    %c0_i32_0 = arith.constant 0 : i32
    return %arg0, %c0_i32 : i32, i32
  }
  func.func @transform_3(%arg0: i32) -> (i32, i32) {
    %c0_i32 = arith.constant 0 : i32
    %c0_i32_0 = arith.constant 0 : i32
    %c0_i32_1 = arith.constant 0 : i32
    return %c0_i32, %c0_i32_0 : i32, i32
  }
  func.func @transform_4(%arg0: i32) -> (i32, i32) {
    %c0_i32 = arith.constant 0 : i32
    %c0_i32_0 = arith.constant 0 : i32
    %c0_i32_1 = arith.constant 0 : i32
    return %c0_i32, %c0_i32_0 : i32, i32
  }
  func.func @transform_5(%arg0: i32) -> (i32, i32) {
    %c0_i32 = arith.constant 0 : i32
    %c0_i32_0 = arith.constant 0 : i32
    return %arg0, %c0_i32 : i32, i32
  }
  func.func @transform_6(%arg0: i32) -> (i32, i32) {
    %c0_i32 = arith.constant 0 : i32
    %c0_i32_0 = arith.constant 0 : i32
    return %arg0, %c0_i32 : i32, i32
  }
}

module attributes {stable_mosaic.version = 14 : i64} {
  func.func @_phase_b_body(%arg0: i32, %arg1: memref<256x16xf32, #tpu.memory_space<vmem>>, %arg2: memref<4096x16xf32, #tpu.memory_space<vmem>>, %arg3: memref<4096x1xf32, #tpu.memory_space<vmem>>, %arg4: memref<256x1xf32, #tpu.memory_space<vmem>>, %arg5: memref<4096x128xf32, #tpu.memory_space<vmem>>, %arg6: memref<32x16xf32, #tpu.memory_space<vmem>>, %arg7: memref<32x16xf32, #tpu.memory_space<vmem>>, %arg8: memref<256x32xbf16, #tpu.memory_space<vmem>>, %arg9: memref<4096x128xbf16, #tpu.memory_space<vmem>>) attributes {dimension_semantics = [#tpu.dimension_semantics<arbitrary>], iteration_bounds = array<i64: 16>, scalar_prefetch = 0 : i64, scratch_operands = 1 : i64, tpu.core_type = #tpu.core_type<tc>, window_params = [{transform_indices = @transform_0, window_bounds = array<i64: 256, 16>}, {pipeline_mode = #tpu.pipeline_mode<synchronous>, transform_indices = @transform_1, window_bounds = array<i64: 4096, 16>}, {pipeline_mode = #tpu.pipeline_mode<synchronous>, transform_indices = @transform_2, window_bounds = array<i64: 4096, 1>}, {transform_indices = @transform_3, window_bounds = array<i64: 256, 1>}, {pipeline_mode = #tpu.pipeline_mode<synchronous>, transform_indices = @transform_4, window_bounds = array<i64: 4096, 128>}, {pipeline_mode = #tpu.pipeline_mode<synchronous>, transform_indices = @transform_5, window_bounds = array<i64: 32, 16>}, {pipeline_mode = #tpu.pipeline_mode<synchronous>, transform_indices = @transform_6, window_bounds = array<i64: 32, 16>}, {transform_indices = @transform_7, window_bounds = array<i64: 256, 32>}]} {
    %eq3A = arith.constant 0 : i32
    %eq3A_0 = arith.cmpi eq, %arg0, %eq3A : i32
    %convert_element_type3A = arith.extui %eq3A_0 : i1 to i32
    %cond3A = arith.constant 0 : i32
    %cond3A_1 = arith.cmpi ne, %convert_element_type3A, %cond3A : i32
    scf.if %cond3A_1 {
      %get3A_57 = arith.constant 0 : index
      %get3A_58 = arith.constant 0 : index
      %get3A_59 = vector.load %arg5[%get3A_57, %get3A_58] : memref<4096x128xf32, #tpu.memory_space<vmem>>, vector<4096x128xf32>
      %get3A_60 = arith.constant 0 : index
      %get3A_61 = arith.constant 0 : index
      %get3A_62 = vector.load %arg3[%get3A_60, %get3A_61] : memref<4096x1xf32, #tpu.memory_space<vmem>>, vector<4096x1xf32>
      %rsqrt3A_63 = math.rsqrt %get3A_62 : vector<4096x1xf32>
      %mul3A_64 = vector.broadcast %rsqrt3A_63 : vector<4096x1xf32> to vector<4096x128xf32>
      %mul3A_65 = arith.mulf %get3A_59, %mul3A_64 : vector<4096x128xf32>
      %convert_element_type3A_66 = arith.truncf %mul3A_65 : vector<4096x128xf32> to vector<4096x128xbf16>
      %swap3A_67 = arith.constant 0 : index
      %swap3A_68 = arith.constant 0 : index
      %swap3A_69 = vector.load %arg9[%swap3A_67, %swap3A_68] : memref<4096x128xbf16, #tpu.memory_space<vmem>>, vector<4096x128xbf16>
      tpu.vector_store %arg9[%swap3A_67, %swap3A_68], %convert_element_type3A_66 {strides = array<i32>} : memref<4096x128xbf16, #tpu.memory_space<vmem>>, vector<4096x128xbf16>,
    } else {
    }
    %get3A = arith.constant 0 : index
    %get3A_2 = arith.constant 0 : index
    %get3A_3 = vector.load %arg1[%get3A, %get3A_2] : memref<256x16xf32, #tpu.memory_space<vmem>>, vector<256x16xf32>
    %get3A_4 = arith.constant 0 : index
    %get3A_5 = arith.constant 0 : index
    %get3A_6 = vector.load %arg2[%get3A_4, %get3A_5] : memref<4096x16xf32, #tpu.memory_space<vmem>>, vector<4096x16xf32>
    %mul3A = arith.constant 5.000000e-01 : f32
    %mul3A_7 = vector.broadcast %mul3A : f32 to vector<256x16xf32>
    %mul3A_8 = arith.mulf %get3A_3, %mul3A_7 : vector<256x16xf32>
    %dot_general3A = arith.constant dense<0.000000e+00> : vector<256x4096xf32>
    %dot_general3A_9 = tpu.matmul %mul3A_8, %get3A_6, %dot_general3A {dimension_numbers = #tpu.dot_dimension_numbers<[1], [1], [0], [0], [0, 0, 1, 0], [], []>, transpose_lhs_hint = false} : vector<256x16xf32>, vector<4096x16xf32>, vector<256x4096xf32> -> vector<256x4096xf32>
    %tanh3A = math.tanh %dot_general3A_9 : vector<256x4096xf32>
    %mul3A_10 = arith.constant 5.000000e-01 : f32
    %mul3A_11 = vector.broadcast %mul3A_10 : f32 to vector<256x4096xf32>
    %mul3A_12 = arith.mulf %mul3A_11, %tanh3A : vector<256x4096xf32>
    %add3A = arith.constant 5.000000e-01 : f32
    %add3A_13 = vector.broadcast %add3A : f32 to vector<256x4096xf32>
    %add3A_14 = arith.addf %mul3A_12, %add3A_13 : vector<256x4096xf32>
    %convert_element_type3A_15 = arith.truncf %add3A_14 : vector<256x4096xf32> to vector<256x4096xbf16>
    %get3A_16 = arith.constant 0 : index
    %get3A_17 = arith.constant 0 : index
    %get3A_18 = vector.load %arg9[%get3A_16, %get3A_17] : memref<4096x128xbf16, #tpu.memory_space<vmem>>, vector<4096x128xbf16>
    %dot_general3A_19 = arith.constant dense<0.000000e+00> : vector<256x128xf32>
    %dot_general3A_20 = tpu.matmul %convert_element_type3A_15, %get3A_18, %dot_general3A_19 {dimension_numbers = #tpu.dot_dimension_numbers<[1], [0], [0], [1], [0, 0, 1, 1], [], []>, transpose_lhs_hint = false} : vector<256x4096xbf16>, vector<4096x128xbf16>, vector<256x128xf32> -> vector<256x128xf32>
    %get3A_21 = arith.constant 0 : index
    %get3A_22 = arith.constant 0 : index
    %get3A_23 = vector.load %arg4[%get3A_21, %get3A_22] : memref<256x1xf32, #tpu.memory_space<vmem>>, vector<256x1xf32>
    %rsqrt3A = math.rsqrt %get3A_23 : vector<256x1xf32>
    %mul3A_24 = vector.broadcast %rsqrt3A : vector<256x1xf32> to vector<256x128xf32>
    %mul3A_25 = arith.mulf %dot_general3A_20, %mul3A_24 : vector<256x128xf32>
    %slice3A = vector.extract_strided_slice %mul3A_25 {offsets = [0, 0], sizes = [256, 32], strides = [1, 1]} : vector<256x128xf32> to vector<256x32xf32>
    %max3A = arith.constant 0.000000e+00 : f32
    %max3A_26 = vector.broadcast %max3A : f32 to vector<256x32xf32>
    %max3A_27 = arith.maximumf %slice3A, %max3A_26 : vector<256x32xf32>
    %slice3A_28 = vector.extract_strided_slice %mul3A_25 {offsets = [0, 32], sizes = [256, 32], strides = [1, 1]} : vector<256x128xf32> to vector<256x32xf32>
    %max3A_29 = arith.constant 0.000000e+00 : f32
    %max3A_30 = vector.broadcast %max3A_29 : f32 to vector<256x32xf32>
    %max3A_31 = arith.maximumf %slice3A_28, %max3A_30 : vector<256x32xf32>
    %add3A_32 = arith.addf %max3A_27, %max3A_31 : vector<256x32xf32>
    %slice3A_33 = vector.extract_strided_slice %mul3A_25 {offsets = [0, 64], sizes = [256, 32], strides = [1, 1]} : vector<256x128xf32> to vector<256x32xf32>
    %max3A_34 = arith.constant 0.000000e+00 : f32
    %max3A_35 = vector.broadcast %max3A_34 : f32 to vector<256x32xf32>
    %max3A_36 = arith.maximumf %slice3A_33, %max3A_35 : vector<256x32xf32>
    %slice3A_37 = vector.extract_strided_slice %mul3A_25 {offsets = [0, 96], sizes = [256, 32], strides = [1, 1]} : vector<256x128xf32> to vector<256x32xf32>
    %max3A_38 = arith.constant 0.000000e+00 : f32
    %max3A_39 = vector.broadcast %max3A_38 : f32 to vector<256x32xf32>
    %max3A_40 = arith.maximumf %slice3A_37, %max3A_39 : vector<256x32xf32>
    %add3A_41 = arith.addf %max3A_36, %max3A_40 : vector<256x32xf32>
    %get3A_42 = arith.constant 0 : index
    %get3A_43 = arith.constant 0 : index
    %get3A_44 = vector.load %arg6[%get3A_42, %get3A_43] : memref<32x16xf32, #tpu.memory_space<vmem>>, vector<32x16xf32>
    %dot_general3A_45 = arith.constant dense<0.000000e+00> : vector<256x16xf32>
    %dot_general3A_46 = tpu.matmul %add3A_32, %get3A_44, %dot_general3A_45 {dimension_numbers = #tpu.dot_dimension_numbers<[1], [0], [0], [1], [0, 0, 1, 1], [], []>, transpose_lhs_hint = false} : vector<256x32xf32>, vector<32x16xf32>, vector<256x16xf32> -> vector<256x16xf32>
    %get3A_47 = arith.constant 0 : index
    %get3A_48 = arith.constant 0 : index
    %get3A_49 = vector.load %arg7[%get3A_47, %get3A_48] : memref<32x16xf32, #tpu.memory_space<vmem>>, vector<32x16xf32>
    %dot_general3A_50 = arith.constant dense<0.000000e+00> : vector<256x16xf32>
    %dot_general3A_51 = tpu.matmul %add3A_41, %get3A_49, %dot_general3A_50 {dimension_numbers = #tpu.dot_dimension_numbers<[1], [0], [0], [1], [0, 0, 1, 1], [], []>, transpose_lhs_hint = false} : vector<256x32xf32>, vector<32x16xf32>, vector<256x16xf32> -> vector<256x16xf32>
    %concatenate3A = tpu.concatenate %dot_general3A_46, %dot_general3A_51 in 1 : vector<256x16xf32>, vector<256x16xf32> -> vector<256x32xf32>
    %mul3A_52 = vector.broadcast %rsqrt3A : vector<256x1xf32> to vector<256x32xf32>
    %mul3A_53 = arith.mulf %concatenate3A, %mul3A_52 : vector<256x32xf32>
    %convert_element_type3A_54 = arith.truncf %mul3A_53 : vector<256x32xf32> to vector<256x32xbf16>
    %swap3A = arith.constant 0 : index
    %swap3A_55 = arith.constant 0 : index
    %swap3A_56 = vector.load %arg8[%swap3A, %swap3A_55] : memref<256x32xbf16, #tpu.memory_space<vmem>>, vector<256x32xbf16>
    tpu.vector_store %arg8[%swap3A, %swap3A_55], %convert_element_type3A_54 {strides = array<i32>} : memref<256x32xbf16, #tpu.memory_space<vmem>>, vector<256x32xbf16>,
    return
  }
  func.func @transform_0(%arg0: i32) -> (i32, i32) {
    %c0_i32 = arith.constant 0 : i32
    %c0_i32_0 = arith.constant 0 : i32
    return %arg0, %c0_i32 : i32, i32
  }
  func.func @transform_1(%arg0: i32) -> (i32, i32) {
    %c0_i32 = arith.constant 0 : i32
    %c0_i32_0 = arith.constant 0 : i32
    %c0_i32_1 = arith.constant 0 : i32
    return %c0_i32, %c0_i32_0 : i32, i32
  }
  func.func @transform_2(%arg0: i32) -> (i32, i32) {
    %c0_i32 = arith.constant 0 : i32
    %c0_i32_0 = arith.constant 0 : i32
    %c0_i32_1 = arith.constant 0 : i32
    return %c0_i32, %c0_i32_0 : i32, i32
  }
  func.func @transform_3(%arg0: i32) -> (i32, i32) {
    %c0_i32 = arith.constant 0 : i32
    %c0_i32_0 = arith.constant 0 : i32
    return %arg0, %c0_i32 : i32, i32
  }
  func.func @transform_4(%arg0: i32) -> (i32, i32) {
    %c0_i32 = arith.constant 0 : i32
    %c0_i32_0 = arith.constant 0 : i32
    %c0_i32_1 = arith.constant 0 : i32
    return %c0_i32, %c0_i32_0 : i32, i32
  }
  func.func @transform_5(%arg0: i32) -> (i32, i32) {
    %c0_i32 = arith.constant 0 : i32
    %c0_i32_0 = arith.constant 0 : i32
    %c0_i32_1 = arith.constant 0 : i32
    return %c0_i32, %c0_i32_0 : i32, i32
  }
  func.func @transform_6(%arg0: i32) -> (i32, i32) {
    %c0_i32 = arith.constant 0 : i32
    %c0_i32_0 = arith.constant 0 : i32
    %c0_i32_1 = arith.constant 0 : i32
    return %c0_i32, %c0_i32_0 : i32, i32
  }
  func.func @transform_7(%arg0: i32) -> (i32, i32) {
    %c0_i32 = arith.constant 0 : i32
    %c0_i32_0 = arith.constant 0 : i32
    return %arg0, %c0_i32 : i32, i32
  }
}

module attributes {stable_mosaic.version = 14 : i64} {
  func.func @_phase_c_body(%arg0: i32, %arg1: memref<256x16xf32, #tpu.memory_space<vmem>>, %arg2: memref<4096x16xf32, #tpu.memory_space<vmem>>, %arg3: memref<256x1xf32, #tpu.memory_space<vmem>>, %arg4: memref<4096x32xbf16, #tpu.memory_space<vmem>>, %arg5: memref<256x32xf32, #tpu.memory_space<vmem>>) attributes {dimension_semantics = [#tpu.dimension_semantics<arbitrary>], iteration_bounds = array<i64: 16>, scalar_prefetch = 0 : i64, scratch_operands = 0 : i64, tpu.core_type = #tpu.core_type<tc>, window_params = [{transform_indices = @transform_0, window_bounds = array<i64: 256, 16>}, {pipeline_mode = #tpu.pipeline_mode<synchronous>, transform_indices = @transform_1, window_bounds = array<i64: 4096, 16>}, {transform_indices = @transform_2, window_bounds = array<i64: 256, 1>}, {pipeline_mode = #tpu.pipeline_mode<synchronous>, transform_indices = @transform_3, window_bounds = array<i64: 4096, 32>}, {transform_indices = @transform_4, window_bounds = array<i64: 256, 32>}]} {
    %get3A = arith.constant 0 : index
    %get3A_0 = arith.constant 0 : index
    %get3A_1 = vector.load %arg1[%get3A, %get3A_0] : memref<256x16xf32, #tpu.memory_space<vmem>>, vector<256x16xf32>
    %get3A_2 = arith.constant 0 : index
    %get3A_3 = arith.constant 0 : index
    %get3A_4 = vector.load %arg2[%get3A_2, %get3A_3] : memref<4096x16xf32, #tpu.memory_space<vmem>>, vector<4096x16xf32>
    %mul3A = arith.constant 5.000000e-01 : f32
    %mul3A_5 = vector.broadcast %mul3A : f32 to vector<256x16xf32>
    %mul3A_6 = arith.mulf %get3A_1, %mul3A_5 : vector<256x16xf32>
    %dot_general3A = arith.constant dense<0.000000e+00> : vector<256x4096xf32>
    %dot_general3A_7 = tpu.matmul %mul3A_6, %get3A_4, %dot_general3A {dimension_numbers = #tpu.dot_dimension_numbers<[1], [1], [0], [0], [0, 0, 1, 0], [], []>, transpose_lhs_hint = false} : vector<256x16xf32>, vector<4096x16xf32>, vector<256x4096xf32> -> vector<256x4096xf32>
    %tanh3A = math.tanh %dot_general3A_7 : vector<256x4096xf32>
    %mul3A_8 = arith.constant 5.000000e-01 : f32
    %mul3A_9 = vector.broadcast %mul3A_8 : f32 to vector<256x4096xf32>
    %mul3A_10 = arith.mulf %mul3A_9, %tanh3A : vector<256x4096xf32>
    %add3A = arith.constant 5.000000e-01 : f32
    %add3A_11 = vector.broadcast %add3A : f32 to vector<256x4096xf32>
    %add3A_12 = arith.addf %mul3A_10, %add3A_11 : vector<256x4096xf32>
    %convert_element_type3A = arith.truncf %add3A_12 : vector<256x4096xf32> to vector<256x4096xbf16>
    %get3A_13 = arith.constant 0 : index
    %get3A_14 = arith.constant 0 : index
    %get3A_15 = vector.load %arg4[%get3A_13, %get3A_14] : memref<4096x32xbf16, #tpu.memory_space<vmem>>, vector<4096x32xbf16>
    %dot_general3A_16 = arith.constant dense<0.000000e+00> : vector<256x32xf32>
    %dot_general3A_17 = tpu.matmul %convert_element_type3A, %get3A_15, %dot_general3A_16 {dimension_numbers = #tpu.dot_dimension_numbers<[1], [0], [0], [1], [0, 0, 1, 1], [], []>, transpose_lhs_hint = false} : vector<256x4096xbf16>, vector<4096x32xbf16>, vector<256x32xf32> -> vector<256x32xf32>
    %get3A_18 = arith.constant 0 : index
    %get3A_19 = arith.constant 0 : index
    %get3A_20 = vector.load %arg3[%get3A_18, %get3A_19] : memref<256x1xf32, #tpu.memory_space<vmem>>, vector<256x1xf32>
    %rsqrt3A = math.rsqrt %get3A_20 : vector<256x1xf32>
    %mul3A_21 = vector.broadcast %rsqrt3A : vector<256x1xf32> to vector<256x32xf32>
    %mul3A_22 = arith.mulf %dot_general3A_17, %mul3A_21 : vector<256x32xf32>
    %get3A_23 = arith.constant 0 : index
    %get3A_24 = arith.constant 0 : index
    %get3A_25 = vector.load %arg1[%get3A_23, %get3A_24] : memref<256x16xf32, #tpu.memory_space<vmem>>, vector<256x16xf32>
    %get3A_26 = arith.constant 0 : index
    %get3A_27 = arith.constant 0 : index
    %get3A_28 = vector.load %arg1[%get3A_26, %get3A_27] : memref<256x16xf32, #tpu.memory_space<vmem>>, vector<256x16xf32>
    %concatenate3A = tpu.concatenate %get3A_25, %get3A_28 in 1 : vector<256x16xf32>, vector<256x16xf32> -> vector<256x32xf32>
    %mul3A_29 = arith.constant 5.000000e-01 : f32
    %mul3A_30 = vector.broadcast %mul3A_29 : f32 to vector<256x32xf32>
    %mul3A_31 = arith.mulf %mul3A_30, %concatenate3A : vector<256x32xf32>
    %mul3A_32 = arith.constant 5.000000e-01 : f32
    %mul3A_33 = vector.broadcast %mul3A_32 : f32 to vector<256x32xf32>
    %mul3A_34 = arith.mulf %mul3A_33, %mul3A_22 : vector<256x32xf32>
    %add3A_35 = arith.addf %mul3A_31, %mul3A_34 : vector<256x32xf32>
    %swap3A = arith.constant 0 : index
    %swap3A_36 = arith.constant 0 : index
    %swap3A_37 = vector.load %arg5[%swap3A, %swap3A_36] : memref<256x32xf32, #tpu.memory_space<vmem>>, vector<256x32xf32>
    tpu.vector_store %arg5[%swap3A, %swap3A_36], %add3A_35 {strides = array<i32>} : memref<256x32xf32, #tpu.memory_space<vmem>>, vector<256x32xf32>,
    return
  }
  func.func @transform_0(%arg0: i32) -> (i32, i32) {
    %c0_i32 = arith.constant 0 : i32
    %c0_i32_0 = arith.constant 0 : i32
    return %arg0, %c0_i32 : i32, i32
  }
  func.func @transform_1(%arg0: i32) -> (i32, i32) {
    %c0_i32 = arith.constant 0 : i32
    %c0_i32_0 = arith.constant 0 : i32
    %c0_i32_1 = arith.constant 0 : i32
    return %c0_i32, %c0_i32_0 : i32, i32
  }
  func.func @transform_2(%arg0: i32) -> (i32, i32) {
    %c0_i32 = arith.constant 0 : i32
    %c0_i32_0 = arith.constant 0 : i32
    return %arg0, %c0_i32 : i32, i32
  }
  func.func @transform_3(%arg0: i32) -> (i32, i32) {
    %c0_i32 = arith.constant 0 : i32
    %c0_i32_0 = arith.constant 0 : i32
    %c0_i32_1 = arith.constant 0 : i32
    return %c0_i32, %c0_i32_0 : i32, i32
  }
  func.func @transform_4(%arg0: i32) -> (i32, i32) {
    %c0_i32 = arith.constant 0 : i32
    %c0_i32_0 = arith.constant 0 : i32
    return %arg0, %c0_i32 : i32, i32
  }
}

module attributes {stable_mosaic.version = 14 : i64} {
  func.func @_recon_body(%arg0: i32, %arg1: memref<256x16xf32, #tpu.memory_space<vmem>>, %arg2: memref<4096x16xf32, #tpu.memory_space<vmem>>, %arg3: memref<256x4096xf32, #tpu.memory_space<vmem>>) attributes {dimension_semantics = [#tpu.dimension_semantics<arbitrary>], iteration_bounds = array<i64: 16>, scalar_prefetch = 0 : i64, scratch_operands = 0 : i64, tpu.core_type = #tpu.core_type<tc>, window_params = [{transform_indices = @transform_0, window_bounds = array<i64: 256, 16>}, {pipeline_mode = #tpu.pipeline_mode<synchronous>, transform_indices = @transform_1, window_bounds = array<i64: 4096, 16>}, {transform_indices = @transform_2, window_bounds = array<i64: 256, 4096>}]} {
    %get3A = arith.constant 0 : index
    %get3A_0 = arith.constant 0 : index
    %get3A_1 = vector.load %arg1[%get3A, %get3A_0] : memref<256x16xf32, #tpu.memory_space<vmem>>, vector<256x16xf32>
    %get3A_2 = arith.constant 0 : index
    %get3A_3 = arith.constant 0 : index
    %get3A_4 = vector.load %arg2[%get3A_2, %get3A_3] : memref<4096x16xf32, #tpu.memory_space<vmem>>, vector<4096x16xf32>
    %dot_general3A = arith.constant dense<0.000000e+00> : vector<256x4096xf32>
    %dot_general3A_5 = tpu.matmul %get3A_1, %get3A_4, %dot_general3A {dimension_numbers = #tpu.dot_dimension_numbers<[1], [1], [0], [0], [0, 0, 1, 0], [], []>, transpose_lhs_hint = false} : vector<256x16xf32>, vector<4096x16xf32>, vector<256x4096xf32> -> vector<256x4096xf32>
    %swap3A = arith.constant 0 : index
    %swap3A_6 = arith.constant 0 : index
    %swap3A_7 = vector.load %arg3[%swap3A, %swap3A_6] : memref<256x4096xf32, #tpu.memory_space<vmem>>, vector<256x4096xf32>
    tpu.vector_store %arg3[%swap3A, %swap3A_6], %dot_general3A_5 {strides = array<i32>} : memref<256x4096xf32, #tpu.memory_space<vmem>>, vector<256x4096xf32>,
    return
  }
  func.func @transform_0(%arg0: i32) -> (i32, i32) {
    %c0_i32 = arith.constant 0 : i32
    %c0_i32_0 = arith.constant 0 : i32
    return %arg0, %c0_i32 : i32, i32
  }
  func.func @transform_1(%arg0: i32) -> (i32, i32) {
    %c0_i32 = arith.constant 0 : i32
    %c0_i32_0 = arith.constant 0 : i32
    %c0_i32_1 = arith.constant 0 : i32
    return %c0_i32, %c0_i32_0 : i32, i32
  }
  func.func @transform_2(%arg0: i32) -> (i32, i32) {
    %c0_i32 = arith.constant 0 : i32
    %c0_i32_0 = arith.constant 0 : i32
    return %arg0, %c0_i32 : i32, i32
  }
}

module attributes {stable_mosaic.version = 14 : i64} {
  func.func @_adj_body(%arg0: i32, %arg1: memref<256x4096xbf16, #tpu.memory_space<vmem>>, %arg2: memref<4096x16xf32, #tpu.memory_space<vmem>>, %arg3: memref<16x32xf32, #tpu.memory_space<vmem>>, %arg4: memref<256x32xf32, #tpu.memory_space<vmem>>, %arg5: memref<256x32xf32, #tpu.memory_space<vmem>>) attributes {dimension_semantics = [#tpu.dimension_semantics<arbitrary>], iteration_bounds = array<i64: 16>, scalar_prefetch = 0 : i64, scratch_operands = 0 : i64, tpu.core_type = #tpu.core_type<tc>, window_params = [{transform_indices = @transform_0, window_bounds = array<i64: 256, 4096>}, {pipeline_mode = #tpu.pipeline_mode<synchronous>, transform_indices = @transform_1, window_bounds = array<i64: 4096, 16>}, {pipeline_mode = #tpu.pipeline_mode<synchronous>, transform_indices = @transform_2, window_bounds = array<i64: 16, 32>}, {transform_indices = @transform_3, window_bounds = array<i64: 256, 32>}, {transform_indices = @transform_4, window_bounds = array<i64: 256, 32>}]} {
    %get3A = arith.constant 0 : index
    %get3A_0 = arith.constant 0 : index
    %get3A_1 = vector.load %arg1[%get3A, %get3A_0] : memref<256x4096xbf16, #tpu.memory_space<vmem>>, vector<256x4096xbf16>
    %get3A_2 = arith.constant 0 : index
    %get3A_3 = arith.constant 0 : index
    %get3A_4 = vector.load %arg2[%get3A_2, %get3A_3] : memref<4096x16xf32, #tpu.memory_space<vmem>>, vector<4096x16xf32>
    %convert_element_type3A = arith.truncf %get3A_4 : vector<4096x16xf32> to vector<4096x16xbf16>
    %dot_general3A = arith.constant dense<0.000000e+00> : vector<256x16xf32>
    %dot_general3A_5 = tpu.matmul %get3A_1, %convert_element_type3A, %dot_general3A {dimension_numbers = #tpu.dot_dimension_numbers<[1], [0], [0], [1], [0, 0, 1, 1], [], []>, transpose_lhs_hint = false} : vector<256x4096xbf16>, vector<4096x16xbf16>, vector<256x16xf32> -> vector<256x16xf32>
    %get3A_6 = arith.constant 0 : index
    %get3A_7 = arith.constant 0 : index
    %get3A_8 = vector.load %arg3[%get3A_6, %get3A_7] : memref<16x32xf32, #tpu.memory_space<vmem>>, vector<16x32xf32>
    %dot_general3A_9 = arith.constant dense<0.000000e+00> : vector<256x32xf32>
    %dot_general3A_10 = tpu.matmul %dot_general3A_5, %get3A_8, %dot_general3A_9 {dimension_numbers = #tpu.dot_dimension_numbers<[1], [0], [0], [1], [0, 0, 1, 1], [], []>, transpose_lhs_hint = false} : vector<256x16xf32>, vector<16x32xf32>, vector<256x32xf32> -> vector<256x32xf32>
    %max3A = arith.constant 0.000000e+00 : f32
    %max3A_11 = vector.broadcast %max3A : f32 to vector<256x32xf32>
    %max3A_12 = arith.maximumf %dot_general3A_10, %max3A_11 : vector<256x32xf32>
    %get3A_13 = arith.constant 0 : index
    %get3A_14 = arith.constant 0 : index
    %get3A_15 = vector.load %arg4[%get3A_13, %get3A_14] : memref<256x32xf32, #tpu.memory_space<vmem>>, vector<256x32xf32>
    %add3A = arith.addf %max3A_12, %get3A_15 : vector<256x32xf32>
    %swap3A = arith.constant 0 : index
    %swap3A_16 = arith.constant 0 : index
    %swap3A_17 = vector.load %arg5[%swap3A, %swap3A_16] : memref<256x32xf32, #tpu.memory_space<vmem>>, vector<256x32xf32>
    tpu.vector_store %arg5[%swap3A, %swap3A_16], %add3A {strides = array<i32>} : memref<256x32xf32, #tpu.memory_space<vmem>>, vector<256x32xf32>,
    return
  }
  func.func @transform_0(%arg0: i32) -> (i32, i32) {
    %c0_i32 = arith.constant 0 : i32
    %c0_i32_0 = arith.constant 0 : i32
    return %arg0, %c0_i32 : i32, i32
  }
  func.func @transform_1(%arg0: i32) -> (i32, i32) {
    %c0_i32 = arith.constant 0 : i32
    %c0_i32_0 = arith.constant 0 : i32
    %c0_i32_1 = arith.constant 0 : i32
    return %c0_i32, %c0_i32_0 : i32, i32
  }
  func.func @transform_2(%arg0: i32) -> (i32, i32) {
    %c0_i32 = arith.constant 0 : i32
    %c0_i32_0 = arith.constant 0 : i32
    %c0_i32_1 = arith.constant 0 : i32
    return %c0_i32, %c0_i32_0 : i32, i32
  }
  func.func @transform_3(%arg0: i32) -> (i32, i32) {
    %c0_i32 = arith.constant 0 : i32
    %c0_i32_0 = arith.constant 0 : i32
    return %arg0, %c0_i32 : i32, i32
  }
  func.func @transform_4(%arg0: i32) -> (i32, i32) {
    %c0_i32 = arith.constant 0 : i32
    %c0_i32_0 = arith.constant 0 : i32
    return %arg0, %c0_i32 : i32, i32
  }
}

</mosaic_0001>

<sc_bundles>
// kernel: sparse-core-data-format-call.cloned.1.call-start
scs
called_computation_lowered:
.L_overlay_start_0:
0x0: {  	s2 =	sld [smem:$0x3FD9]  }
0x1: {  	s3 =	sld [smem:$0x3FFE];
	_ =	sdelay $0x1  }
0x2: {  	s1 =	srdreg.scid  }
0x3: {  	s0 =	sand.u32 $0x1, s1  }
0x4: {  	s15 =	sshll.u32 s0, $0xA;
	s2 =	sadd.s32 s3, s2  }
0x5: {  	s2 =	sadd.s32 s2, s15  }
0x6: {  	[smem:$0x3FBB] =	sst s2  }
0x7: {  	_ = 	snop  }
0x8: {  	s2 =	sld [smem:$0x3FD0];
	_ =	sdelay $0x2  }
0x9: {  	s16 =	simm.s32 $0xA;
	s4 =	simm.s32 $0x10  }
0xa: {  	[smem:s4], [sflag:s16] =	dma.local [hbm:s2], $0x1  }
0xb: {  	_ =	swait.eq [sflag:s16], $0x1  }
0xc: {  	[sflag:s16] =	ssyncset.done $0x0  }
0xd: {  	[sflag:s16] =	ssyncadd.s32 $0xFFFFFFFF  }
0xe: {  	s17 =	sld [smem:$0x11];
	(tm) =	ssettm $0x1  }
0xf: {  	s18 =	sld [smem:$0x3FFB];
	_ =	sdelay $0x3  }
0x10: {  	_ =	strace s18  }
0x11: {  	s3 =	sld [smem:$0x3FFC];
	_ =	sdelay $0x3  }
0x12: {  	_ =	strace s3  }
0x13: {  	s3 =	sld [smem:$0x3FFD];
	_ =	sdelay $0x3  }
0x14: {  	_ =	strace s3  }
0x15: {  	_ =	strace $0x8FFFFFFF  }
0x16: {  	s19 =	sld [smem:$0x3FDB];
	_ =	sdelay $0x1  }
0x17: {  	s20 =	simm.s32 $_scs_section_size  }
0x18: {  	s5 =	simm.s32 $_size__tile_overlayer_lowered;
	s6 =	simm.s32 $_tile_overlayer_lowered  }
0x19: {  	s23 =	simm.s32 $0x1BFF;
	s22 =	sshll.u32 s6, $0x1;
	s3 =	sadd.s32 s20, s19  }
0x1a: {  	s7 =	simm.s32 $0x0;
	s21 =	sshll.u32 s5, $0x1;
	s5 =	sadd.s32 s22, s3  }
0x1b: {  	[timem:s7], [sflag:s23] =	dma.local [hbm:s5], s21  }
0x1c: {  	_ =	swait.ge [sflag:s23], s21  }
0x1d: {  	s4 =	ssub.s32 $0x0, s21;
	[sflag:s23] =	ssyncset.done $0x0  }
0x1e: {  	[sflag:s23] =	ssyncadd.s32 s4;
	_ =	sdelay $0x1  }
0x1f: {  	s24 =	simm.s32 $0x1B8B  }
0x20: {  	_ =	swait.ge [sflag:s24], $0x1  }
0x21: {  	[sflag:s24] =	ssyncset.done $0x0  }
0x22: {  	s26 =	simm.s32 $0x1B8E;
	s25 =	sld [smem:$0x3FFE];
	[sflag:s24] =	ssyncadd.s32 $0xFFFFFFFF  }
0x23: {  	s27 =	simm.s32 $execute0_lowered;
	[smem:$0x3FD2] =	sst s26  }
0x24: {  	s5 =	sshll.u32 s27, $0x1;
	_ =	strace $0x80000046;
	[dreg:$0x1] =	wrdreg $0xFFFFFFFF  }
0x25: {  	s28 =	simm.s32 $_size_execute0_lowered;
	s3 =	sadd.s32 s3, s5;
	[dreg:$0x0] =	wrdreg $0x0  }
0x26: {  	s5 =	sshll.u32 s28, $0x1;
	[dreg:$0x2] =	wrdreg s3  }
0x27: {  	[dreg:$0x3] =	wrdreg s5  }
0x28: {  	[dreg:$0x4] =	wrdreg $0xC0  }
0x29: {  	_ =	task [dreg:s7], $0x5FFFF  }
0x2a: {  	[dreg:$0x1] =	wrdreg $0xFFFFFFFF  }
0x2b: {  	[dreg:$0x0] =	wrdreg $0x60  }
0x2c: {  	[dreg:$0x2] =	wrdreg s25  }
0x2d: {  	[dreg:$0x3] =	wrdreg s17  }
0x2e: {  	[dreg:$0x4] =	wrdreg $0x9  }
0x2f: {  	_ =	task.clear_ibuf [dreg:s7], $0x5FFFF;
	_ =	strace $0x90000046  }
0x30: {  	s29 =	simm.s32 $0x9;
	_ =	strace $0x80000048  }
0x31: {  	_ =	swait.ge [sflag:s29], $0x1  }
0x32: {  	[sflag:s29] =	ssyncadd.s32 $0xFFFFFFFF  }
0x33: {  	_ =	strace $0x90000048  }
0x34: {  	_ =	sfence  }
0x35: {  	s30 =	sld [smem:$0x0];
	_ =	sdelay $0x2  }
0x36: {  	s31 =	sshll.u32 s1, $0xD;
	s1 =	sshrl.u32 s1, $0x2  }
0x37: {  	s3 =	sand.u32 $0x4000, s31;
	s1 =	sadd.s32 s1, s30  }
0x38: {  	s0 =	sor.u32 s3, s0;
	s1 =	sshll.u32 s1, $0x11  }
0x39: {  	s0 =	sor.u32 s1, s0  }
0x3a: {  	s0 =	sadd.s32 $0x8F2B, s0  }
0x3b: {  	[sflag:s0] =	ssyncadd.remote.s32 $0x1  }
0x3c: {  	_ =	sfence.sel $0xFFFF  }
0x3d: {  	[dreg:$0x0] =	wrdreg $0xFFFFFFFF;
	(pc) =	sbr.abs _section_cstart, $3  }
0x3e: {  	[dreg:$0x1] =	wrdreg $0xFFFFFFFF  }
0x3f: {  	_ =	task.clear_ibuf [dreg:s7], $0x2FFFF;
	_ =	strace $0x9FFFFFFF  }
0x40: {  	(tm) =	ssettm $0x7FFFFFFF  }
0x41: {  	_ =	shalt  }
tec
execute0_lowered:
.L_overlay_start_1:
0x0: {  	(tag) =	ssettag $0x1  }
0x1: {  	s1 =	rddreg [dreg:$0x0]  }
0x2: {  	s2 =	rddreg [dreg:$0x1]  }
0x3: {  	s0 =	rddreg [dreg:$0x2];
	_ =	strace $0x80000047;
	s4 =	srdreg.scid  }
0x4: {  	s6 =	simm.s32 $0x2;
	s11 =	simm.s32 $0x0;
	p0 =	por $0x0, $0x0  }
.Ltmp0:
0x5: {  	s7 =	simm.s32 $0x1000;
	s12 =	simm.s32 $0x0;
	(pc) =	sbr.rel .LBB1_1-.Ltmp0, $4  }
0x6: {  	s9 =	simm.s32 $0x0;
	s3 =	sadd.s32 $0x121C00, s1;
	s5 =	sshll.u32 s4, $0x4  }
0x7: {  	s1 =	stileid.u32;
	s4 =	simm.s32 $0x1;
	s5 =	sand.u32 $0x10, s5  }
0x8: {  	s8 =	simm.s32 $0x0;
	[sflag:s4] =	ssyncpa.u1 $0x0;
	s5 =	sor.u32 s1, s5  }
0x9: {  	[sflag:s6] =	ssyncpa.u1 $0x0;
	s6 =	simm.s32 $0x800;
	s10 =	smov.u32 s5  }
.LBB1_7:
0xa: {  	s13 =	sadd.s32 $0x10, s9  }
0xb: {  	s11 =	sadd.s32 $0x20, s10;
	s15 =	smov.u32 s10;
	p2 =	sgt.s32 s13, $0x1F  }
0xc: {  	p1 =	slt.u32 s8, $0x2;
	s15 =	smov.u32 @p2 s11  }
0xd: {  	s8 =	sadd.s32 $0x1, s8;
	s13 =	simm.s32 @p2 $0x0;
	p2 =	sgt.s32 s15, $0x1FF  }
0xe: {  	s15 =	smov.u32 @p2 s5;
	p2 =	sne.s32 s8, $0x22  }
.Ltmp1:
0xf: {  	_ = 	snop;
	(pc) =	sbr.rel @!p2 .LBB1_8-.Ltmp1, $4  }
0x10: {  	s14 =	simm.s32 @!p1 $0x2  }
0x11: {  	s12 =	smov.u32 s10;
	_ =	swait.ge @!p1 [sflag:s14], $0x4000  }
0x12: {  	p0 =	por !p0, !p0;
	s11 =	smov.u32 s9;
	[sflag:s14] =	ssyncset.done @!p1 $0x0  }
0x13: {  	s9 =	smov.u32 s13;
	[sflag:s14] =	ssyncadd.s32 @!p1 $0xFFFFC000;
	s10 =	smov.u32 s15  }
.LBB1_1:
0x14: {  	p1 =	sgt.u32 s8, $0x1F  }
0x15: {  	s13 =	sxor.u32 @!p1 $0xFFFFFFFF, s8;
	s14 =	sshll.u32 @!p1 s10, $0xC  }
0x16: {  	s15 =	sshll.u32 @!p1 s9, $0x7;
	s13 =	sshll.u32 @!p1 s13, $0xE;
	s14 =	sadd.s32 @!p1 s3, s14  }
0x17: {  	s13 =	sand.u32 @!p1 $0x4000, s13;
	s14 =	sadd.s32 @!p1 s15, s14;
	s15 =	simm.s32 @!p1 $0x0  }
0x18: {  	[tilespmem:s13], [sflag:$0x1] =	stream.linear.gather @!p1 [hbm4b:s14+s15], $0x4000, $0x38;
	[tilespmem:$0x10000] =	vst v63  }
0x19: {  	p1 =	seq.s32 s8, $0x0  }
0x1a: {  	p2 =	seq.s32 @!p1 s8, $0x21  }
0x1b: {  	p1 =	por p1, p2  }
.Ltmp2:
0x1c: {  	_ = 	snop;
	(pc) =	sbr.rel @p1 .LBB1_7-.Ltmp2, $1  }
0x1d: {  	_ =	sdelay $0x3  }
0x1e: {  	s13 =	simm.s32 $0x1;
	_ =	swait.ge [sflag:s4], $0x4000;
	s16 =	sshll.u32 s8, $0xE  }
0x1f: {  	s13 =	simm.s32 @!p0 $0x0;
	[sflag:s4] =	ssyncset.done $0x0;
	s31 =	sand.u32 $0x4000, s16  }
0x20: {  	s16 =	simm.s32 $0x0;
	s14 =	sshll.u32 s13, $0xE;
	[sflag:s4] =	ssyncadd.s32 $0xFFFFC000  }
0x21: {  	s13 =	sor.u32 $0x8040, s14;
	s15 =	sor.u32 $0x40, s14;
	s14 =	sor.u32 $0x8000, s31  }
.LBB1_3:
0x22: {  	v0 =	vmov s15;
	_ =	sdelay $0x3  }
0x23: {  	s18 =	simm.s32 $0x0  }
0x24: {  	v6 =	vld.idx.msk [tilespmem:v0+s18+$0x30 ss:$0x1], $0xffff  }
0x25: {  	v7 =	vld.idx.msk [tilespmem:v0+s18+$0xFFFFFFC0 ss:$0x1], $0xffff  }
0x26: {  	v5 =	vld.idx.msk [tilespmem:v0+s18+$0xFFFFFFD0 ss:$0x1], $0xffff  }
0x27: {  	v4 =	vld.idx.msk [tilespmem:v0+s18+$0xFFFFFFE0 ss:$0x1], $0xffff  }
0x28: {  	v3 =	vld.idx.msk [tilespmem:v0+s18+$0xFFFFFFF0 ss:$0x1], $0xffff  }
0x29: {  	v1 =	vld.idx.msk [tilespmem:v0+s18+$0x0 ss:$0x1], $0xffff  }
0x2a: {  	v2 =	vld.idx.msk [tilespmem:v0+s18+$0x10 ss:$0x1], $0xffff;
	[tilespmem:s13+$0x30] =	vst v6  }
0x2b: {  	s17 =	simm.s32 $0x80;
	s19 =	simm.s32 $0x400;
	[tilespmem:s13+$0xFFFFFFC0] =	vst v7;
	v6 =	vld.idx.msk [tilespmem:v0+s18+$0x20 ss:$0x1], $0xffff;
	s18 =	smov.u32 s13  }
.LBB1_4:
0x2c: {  	p1 =	sne.s32 s19, $0xE00;
	v7 =	vld.idx.msk [tilespmem:v0+s17+$0x30 ss:$0x1], $0xffff;
	[tilespmem:s18+$0xFFFFFFD0] =	vst v5  }
0x2d: {  	v8 =	vld.idx.msk [tilespmem:v0+s17+$0xFFFFFFC0 ss:$0x1], $0xffff;
	[tilespmem:s18+$0xFFFFFFE0] =	vst v4  }
0x2e: {  	v5 =	vld.idx.msk [tilespmem:v0+s17+$0xFFFFFFD0 ss:$0x1], $0xffff;
	[tilespmem:s18+$0xFFFFFFF0] =	vst v3  }
.Ltmp3:
0x2f: {  	v4 =	vld.idx.msk [tilespmem:v0+s17+$0xFFFFFFE0 ss:$0x1], $0xffff;
	[tilespmem:s18+$0x0] =	vst v1;
	(pc) =	sbr.rel @p1 .LBB1_4-.Ltmp3, $4  }
0x30: {  	v3 =	vld.idx.msk [tilespmem:v0+s17+$0xFFFFFFF0 ss:$0x1], $0xffff;
	[tilespmem:s18+$0x10] =	vst v2  }
0x31: {  	v1 =	vld.idx.msk [tilespmem:v0+s17+$0x0 ss:$0x1], $0xffff;
	[tilespmem:s18+$0x20] =	vst v6;
	s18 =	sadd.s32 $0x800, s18  }
0x32: {  	v2 =	vld.idx.msk [tilespmem:v0+s17+$0x10 ss:$0x1], $0xffff;
	[tilespmem:s18+$0x30] =	vst v7  }
0x33: {  	[tilespmem:s18+$0xFFFFFFC0] =	vst v8;
	v6 =	vld.idx.msk [tilespmem:v0+s17+$0x20 ss:$0x1], $0xffff;
	s17 =	sshra.s32 s19, $0x2;
	s19 =	sadd.s32 $0x200, s19  }
0x34: {  	_ =	sdelay $0x2  }
0x35: {  	[tilespmem:s18+$0xFFFFFFD0] =	vst v5  }
0x36: {  	v56 =	vld.idx.msk [tilespmem:v0+s17+$0x30 ss:$0x1], $0xffff;
	[tilespmem:s18+$0xFFFFFFE0] =	vst v4  }
0x37: {  	v57 =	vld.idx.msk [tilespmem:v0+s17+$0xFFFFFFC0 ss:$0x1], $0xffff;
	[tilespmem:s18+$0xFFFFFFF0] =	vst v3  }
0x38: {  	v58 =	vld.idx.msk [tilespmem:v0+s17+$0xFFFFFFD0 ss:$0x1], $0xffff;
	[tilespmem:s18+$0x0] =	vst v1  }
0x39: {  	v59 =	vld.idx.msk [tilespmem:v0+s17+$0xFFFFFFE0 ss:$0x1], $0xffff;
	[tilespmem:s18+$0x10] =	vst v2  }
0x3a: {  	v60 =	vld.idx.msk [tilespmem:v0+s17+$0xFFFFFFF0 ss:$0x1], $0xffff;
	s31 =	sadd.s32 $0x800, s18;
	[tilespmem:s18+$0x20] =	vst v6  }
0x3b: {  	v61 =	vld.idx.msk [tilespmem:v0+s17+$0x0 ss:$0x1], $0xffff;
	[tilespmem:s31+$0x30] =	vst v56  }
0x3c: {  	v62 =	vld.idx.msk [tilespmem:v0+s17+$0x10 ss:$0x1], $0xffff;
	s16 =	sadd.s32 $0x1, s16;
	[tilespmem:s31+$0xFFFFFFC0] =	vst v57  }
0x3d: {  	v63 =	vld.idx.msk [tilespmem:v0+s17+$0x20 ss:$0x1], $0xffff;
	p1 =	sne.s32 s16, $0x10;
	[tilespmem:s31+$0xFFFFFFD0] =	vst v58  }
.Ltmp4:
0x3e: {  	[tilespmem:s31+$0xFFFFFFE0] =	vst v59;
	(pc) =	sbr.rel @p1 .LBB1_3-.Ltmp4, $4  }
0x3f: {  	[tilespmem:s31+$0xFFFFFFF0] =	vst v60  }
0x40: {  	[tilespmem:s31+$0x0] =	vst v61  }
0x41: {  	[tilespmem:s31+$0x10] =	vst v62  }
0x42: {  	s13 =	sadd.s32 $0x80, s13;
	s15 =	sadd.s32 $0x400, s15;
	[tilespmem:s31+$0x20] =	vst v63  }
.Ltmp5:
0x43: {  	(pc) =	sbr.rel .LBB1_7-.Ltmp5, $4  }
0x44: {  	s12 =	sshll.u32 s12, $0xC;
	s11 =	sshll.u32 s11, $0x4  }
0x45: {  	s11 =	sand.u32 $0x1F0, s11;
	s12 =	sadd.s32 s2, s12  }
0x46: {  	s11 =	sadd.s32 s11, s12  }
0x47: {  	[hbm4b:s11+s6] =	stream.strided.scatter [tilespmem:s14], [sflag:$0x2], $0x4000, s7, s6, $0x38;
	[tilespmem:$0x10000] =	vst v63  }
.LBB1_8:
0x48: {  	_ =	sfence.sel $0x180000  }
0x49: {  	s2 =	simm.s32 $0x1;
	[bflag:$0x0] =	sbarrier.arrive $0xFFFF  }
0x4a: {  	s31 =	simm.s32 $0x2;
	[sflag:s2] =	ssyncpa.u1 $0x1  }
0x4b: {  	[sflag:s31] =	ssyncpa.u1 $0x1  }
0x4c: {  	p0 =	sne.s32 s1, $0x0;
	_ =	strace $0x90000047  }
0x4d: {  	s0 =	sadd.s32 @!p0 $0x100000, s0;
	[bflag:$0x2] =	sbarrier.arrive $0xFFFF  }
0x4e: {  	[sflag:s0] =	ssyncadd.tile.s32 @!p0 $0x1;
	_ =	shalt  }
.Lfunc_end1:
_tile_overlayer_lowered:
.L_overlay_start_2:
0x4f: {  	(tag) =	ssettag $0x2  }
0x50: {  	s0 =	rddreg [dreg:$0x0];
	s2 =	stileid.u32  }
0x51: {  	s1 =	rddreg [dreg:$0x1];
	p0 =	sne.s32 s2, $0x0  }
0x52: {  	s3 =	rddreg [dreg:$0x2];
	[bflag:$0x3] =	sbarrier.arrive $0xFFFF;
	s2 =	simm.s32 @!p0 $0x1C01  }
0x53: {  	[timem:s3], [sflag:s2] =	dma.local @!p0 [hbm:s0], s1  }
0x54: {  	s0 =	simm.s32 @!p0 $0x1  }
0x55: {  	_ =	swait.ge @!p0 [sflag:s0], s1  }
0x56: {  	s1 =	ssub.s32 @!p0 $0x0, s1;
	[sflag:s0] =	ssyncset.done @!p0 $0x0  }
0x57: {  	[sflag:s0] =	ssyncadd.s32 @!p0 s1  }
0x58: {  	[bflag:$0x3] =	sbarrier.arrive $0xFFFF  }
0x59: {  	_ =	shalt  }

</sc_bundles>
